<compile_context>
chip_gen: v7x
topology: tpu7x:2x2x1
jax: 0.10.2.dev20260603
libtpu: 0.0.44.dev20260713+nightly
codegen_flags: <defaults>
</compile_context>

<pallas_src>
import functools

import jax
import jax.numpy as jnp
from jax import lax
from jax.experimental import pallas as pl
from jax.experimental.pallas import tpu as pltpu
from jax.experimental.pallas import tpu_sc as plsc

N_NODES = 10000
N_EDGES = 160000
D_FEAT = 256
UNITS = 256
HALF = 128

NUM_CORES = 2
NUM_SUBCORES = 16
CHUNK = 128

NP = 10240
STRIPE = NP // NUM_SUBCORES

SIDES = 2 * N_EDGES
SIDES_PER_TILE = -(-SIDES // (NUM_SUBCORES * CHUNK)) * CHUNK
SIDES_PAD = SIDES_PER_TILE * NUM_SUBCORES
CHUNKS_PER_TILE = SIDES_PER_TILE // CHUNK

ROW_BLK = 1000
GRID = N_NODES // ROW_BLK


def _pre_body(x_ref, deg_ref, lo_ref, hi_ref):
    scale = lax.rsqrt(jnp.maximum(deg_ref[...], 1.0))
    xs = x_ref[...] * scale
    lo_ref[...] = xs[:, :HALF]
    hi_ref[...] = xs[:, HALF:]


def _tc_pre(x, deg2):
    return pl.pallas_call(
        _pre_body,
        grid=(GRID,),
        in_specs=[
            pl.BlockSpec((ROW_BLK, D_FEAT), lambda i: (i, 0)),
            pl.BlockSpec((ROW_BLK, 1), lambda i: (i, 0)),
        ],
        out_specs=[
            pl.BlockSpec((ROW_BLK, HALF), lambda i: (i, 0)),
            pl.BlockSpec((ROW_BLK, HALF), lambda i: (i, 0)),
        ],
        out_shape=[
            jax.ShapeDtypeStruct((NP, HALF), jnp.float32),
            jax.ShapeDtypeStruct((NP, HALF), jnp.float32),
        ],
    )(x, deg2)


def _sc_body(xs_lo, xs_hi, srcs, dsts, zeros, out, sidx, didx, rows, acc, sem):
    c = lax.axis_index("c")
    s = lax.axis_index("s")

    row0 = pl.multiple_of(s * STRIPE, STRIPE)
    pltpu.sync_copy(zeros.at[pl.ds(row0, STRIPE)], acc.at[pl.ds(row0, STRIPE)])
    plsc.subcore_barrier()

    base = s * SIDES_PER_TILE

    def chunk(i, carry):
        off = pl.multiple_of(base + i * CHUNK, CHUNK)
        pltpu.sync_copy(srcs.at[pl.ds(off, CHUNK)], sidx)
        pltpu.sync_copy(dsts.at[pl.ds(off, CHUNK)], didx)

        @pl.when(c == 0)
        def _():
            pltpu.async_copy(xs_lo.at[sidx], rows, sem).wait()

        @pl.when(c == 1)
        def _():
            pltpu.async_copy(xs_hi.at[sidx], rows, sem).wait()

        pltpu.sync_copy(rows, acc.at[didx], add=True)
        return carry

    lax.fori_loop(0, CHUNKS_PER_TILE, chunk, 0)
    plsc.subcore_barrier()

    out0 = pl.multiple_of(c * NP + s * STRIPE, STRIPE)
    pltpu.sync_copy(acc.at[pl.ds(row0, STRIPE)], out.at[pl.ds(out0, STRIPE)])


def _sc_scatter(xs_lo, xs_hi, srcs, dsts, zeros):
    mesh = plsc.VectorSubcoreMesh(core_axis_name="c", subcore_axis_name="s")
    fn = functools.partial(
        pl.kernel,
        mesh=mesh,
        out_type=jax.ShapeDtypeStruct((NUM_CORES * NP, HALF), jnp.float32),
        scratch_types=[
            pltpu.VMEM((CHUNK,), jnp.int32),
            pltpu.VMEM((CHUNK,), jnp.int32),
            pltpu.VMEM((CHUNK, HALF), jnp.float32),
            pltpu.VMEM_SHARED((NP, HALF), jnp.float32),
            pltpu.SemaphoreType.DMA,
        ],
    )(_sc_body)
    return fn(xs_lo, xs_hi, srcs, dsts, zeros)


def _post_body(tmp_ref, x_ref, deg_ref, w_ref, b_ref, o_ref):
    deg = jnp.maximum(deg_ref[...], 1.0)
    agg = jnp.concatenate([tmp_ref[0], tmp_ref[1]], axis=1)
    agg = agg * lax.rsqrt(deg) + x_ref[...] * (1.0 / deg)
    y = jnp.dot(agg, w_ref[...], preferred_element_type=jnp.float32)
    o_ref[...] = jnp.maximum(y + b_ref[...], 0.0)


def _tc_post(tmp3, x, deg2, w, b2):
    return pl.pallas_call(
        _post_body,
        grid=(GRID,),
        in_specs=[
            pl.BlockSpec((NUM_CORES, ROW_BLK, HALF), lambda i: (0, i, 0)),
            pl.BlockSpec((ROW_BLK, D_FEAT), lambda i: (i, 0)),
            pl.BlockSpec((ROW_BLK, 1), lambda i: (i, 0)),
            pl.BlockSpec((D_FEAT, UNITS), lambda i: (0, 0)),
            pl.BlockSpec((1, UNITS), lambda i: (0, 0)),
        ],
        out_specs=pl.BlockSpec((ROW_BLK, UNITS), lambda i: (i, 0)),
        out_shape=jax.ShapeDtypeStruct((N_NODES, UNITS), jnp.float32),
    )(tmp3, x, deg2, w, b2)


def kernel(node_features, edge_list, degrees, kernel, bias):
    x = node_features
    deg2 = degrees.reshape(N_NODES, 1)

    xs_lo, xs_hi = _tc_pre(x, deg2)

    pad = SIDES_PAD - SIDES
    srcs = jnp.concatenate(
        [edge_list[:, 1], edge_list[:, 0], jnp.zeros((pad,), jnp.int32)])
    dsts = jnp.concatenate(
        [edge_list[:, 0], edge_list[:, 1],
         jnp.full((pad,), N_NODES, jnp.int32)])
    zeros = jnp.zeros((NP, HALF), jnp.float32)

    tmp = _sc_scatter(xs_lo, xs_hi, srcs, dsts, zeros)
    tmp3 = tmp.reshape(NUM_CORES, NP, HALF)

    return _tc_post(tmp3, x, deg2, kernel, bias.reshape(1, UNITS))

# --- scband reference (transcript-rebuilt; emitter-appended) ---
"""Pipeline reference for scband-single-graph-convolution-66984309948496 (READ-ONLY COPY).

The authoritative reference and input builder live on the scoring server;
editing this copy changes nothing except your own understanding.
"""

import jax, jax.numpy as jnp
import numpy as np

N_NODES = 10000
N_EDGES = 160000
D_FEAT = 256
UNITS = 256


def setup_inputs(seed: int = 0) -> dict:
    key = jax.random.key(seed)
    k1, k2, k3 = jax.random.split(key, 3)
    node_features = jax.random.normal(k1, (N_NODES, D_FEAT), dtype=jnp.float32)
    edge_list = jax.random.randint(k2, (N_EDGES, 2), 0, N_NODES, dtype=jnp.int32)
    # degrees computed from the edge list (both endpoints count)
    degrees = jnp.bincount(edge_list.reshape(-1), length=N_NODES).astype(jnp.float32)
    # glorot uniform kernel
    limit = np.sqrt(6.0 / (D_FEAT + UNITS))
    kernel = jax.random.uniform(k3, (D_FEAT, UNITS), dtype=jnp.float32, minval=-limit, maxval=limit)
    bias = jnp.zeros((UNITS,), dtype=jnp.float32)
    return {"node_features": node_features, "edge_list": edge_list, "degrees": degrees, "kernel": kernel, "bias": bias}


def reference(node_features, edge_list, degrees, kernel, bias):
    # GatherNodes: features/degrees of both endpoints of each edge
    gathered_node_features = node_features[edge_list]          # (E, 2, F)
    gathered_degrees = degrees[edge_list]                      # (E, 2)
    # symmetric normalization 1/sqrt(deg_u * deg_v)
    norm = jax.lax.rsqrt(jnp.maximum(jnp.prod(gathered_degrees, axis=-1), 1.0))  # (E,)
    msg = gathered_node_features * norm[:, None, None]         # (E, 2, F)
    # ReduceGatheredNodesSum: scatter-add neighbor messages onto each endpoint
    agg = jnp.zeros_like(node_features)
    agg = agg.at[edge_list[:, 0]].add(msg[:, 1])
    agg = agg.at[edge_list[:, 1]].add(msg[:, 0])
    # self contribution x_u / deg_u
    agg = agg + node_features / jnp.maximum(degrees, 1.0)[:, None]
    out = jnp.matmul(agg, kernel) + bias
    out = jnp.maximum(out, 0.0)  # relu activation
    return out

if __name__ == "__main__":
    import jax
    _d = setup_inputs()
    print(jax.jit(kernel)(*tuple(_d.values())))

</pallas_src>

<mosaic_0001>
#map = affine_map<(d0, d1) -> (0, 0)>
#map1 = affine_map<(d0, d1) -> (0)>
module attributes {stable_mosaic.version = 14 : i64} {
  func.func @_sc_body(%arg0: i32, %arg1: i32, %arg2: memref<10240x128xf32, #tpu.memory_space<hbm>>, %arg3: memref<10240x128xf32, #tpu.memory_space<hbm>>, %arg4: memref<321536xi32, #tpu.memory_space<hbm>>, %arg5: memref<321536xi32, #tpu.memory_space<hbm>>, %arg6: memref<10240x128xf32, #tpu.memory_space<hbm>>, %arg7: memref<20480x128xf32, #tpu.memory_space<hbm>>, %arg8: memref<128xi32, #tpu.memory_space<vmem>>, %arg9: memref<128xi32, #tpu.memory_space<vmem>>, %arg10: memref<128x128xf32, #tpu.memory_space<vmem>>, %arg11: memref<10240x128xf32, #tpu.memory_space<vmem_shared>>, %arg12: memref<!tpu.dma_semaphore, #tpu.memory_space<semaphore_mem>>) attributes {dimension_semantics = [#tpu.dimension_semantics<core_parallel>, #tpu.dimension_semantics<subcore_parallel>], iteration_bounds = array<i64: 2, 16>, scalar_prefetch = 0 : i64, scratch_operands = 5 : i64, tpu.core_type = #tpu.core_type<sc_vector_subcore>, window_params = [{transform_indices = #map}, {transform_indices = #map}, {transform_indices = #map1}, {transform_indices = #map1}, {transform_indices = #map}, {transform_indices = #map}]} {
    %mul3A = arith.constant 640 : i32
    %mul3A_0 = arith.muli %arg1, %mul3A : i32
    %multiple_of3A = tpu.assume_multiple %mul3A_0, 640 : i32
    "tpu.region"() ({
      %run_scoped3A = tpu.sem_alloc : memref<!tpu.dma_semaphore, #tpu.memory_space<semaphore_mem>>
      %dma_start3A = arith.constant 0 : i32
      %dma_start3A_14 = tpu.memref_slice %arg11[%multiple_of3A, %dma_start3A] : memref<10240x128xf32, #tpu.memory_space<vmem_shared>> -> memref<640x128xf32, #tpu.memory_space<vmem_shared>>
      %dma_start3A_15 = arith.constant 0 : i32
      %dma_start3A_16 = tpu.memref_slice %arg6[%multiple_of3A, %dma_start3A_15] : memref<10240x128xf32, #tpu.memory_space<hbm>> -> memref<640x128xf32, #tpu.memory_space<hbm>>
      tpu.enqueue_dma source(%dma_start3A_16 : memref<640x128xf32, #tpu.memory_space<hbm>>) target(%dma_start3A_14 : memref<640x128xf32, #tpu.memory_space<vmem_shared>>) target_semaphore(%run_scoped3A : memref<!tpu.dma_semaphore, #tpu.memory_space<semaphore_mem>>)
      %dma_wait3A = arith.constant 0 : i32
      %dma_wait3A_17 = tpu.memref_slice %arg11[%multiple_of3A, %dma_wait3A] : memref<10240x128xf32, #tpu.memory_space<vmem_shared>> -> memref<640x128xf32, #tpu.memory_space<vmem_shared>>
      %dma_wait3A_18 = arith.constant 0 : i32
      %dma_wait3A_19 = tpu.memref_slice %arg6[%multiple_of3A, %dma_wait3A_18] : memref<10240x128xf32, #tpu.memory_space<hbm>> -> memref<640x128xf32, #tpu.memory_space<hbm>>
      tpu.wait_dma2 semaphore(%run_scoped3A : memref<!tpu.dma_semaphore, #tpu.memory_space<semaphore_mem>>) src(%dma_wait3A_19 : memref<640x128xf32, #tpu.memory_space<hbm>>) dst(%dma_wait3A_17 : memref<640x128xf32, #tpu.memory_space<vmem_shared>>)
      tpu.yield
    }) : () -> ()
    %barrier3A = arith.constant 0 : index
    tpu.barrier barrier_id(%barrier3A)
    %mul3A_1 = arith.constant 20096 : i32
    %mul3A_2 = arith.muli %arg1, %mul3A_1 : i32
    %scan3A = arith.constant 0 : i32
    %scan3A_3 = arith.constant 0 : i32
    %scan3A_4 = arith.constant 157 : i32
    %scan3A_5 = arith.addi %scan3A_3, %scan3A_4 : i32
    %scan3A_6 = arith.constant 1 : i32
    scf.for %scan3A_14 = %scan3A_3 to %scan3A_5 step %scan3A_6  : i32 {
      %mul3A_15 = arith.constant 128 : i32
      %mul3A_16 = arith.muli %scan3A_14, %mul3A_15 : i32
      %add3A_17 = arith.addi %mul3A_2, %mul3A_16 : i32
      %multiple_of3A_18 = tpu.assume_multiple %add3A_17, 128 : i32
      "tpu.region"() ({
        %run_scoped3A = tpu.sem_alloc : memref<!tpu.dma_semaphore, #tpu.memory_space<semaphore_mem>>
        %dma_start3A = tpu.memref_slice %arg4[%multiple_of3A_18] : memref<321536xi32, #tpu.memory_space<hbm>> -> memref<128xi32, #tpu.memory_space<hbm>>
        %dma_start3A_26 = tpu.memref_slice %arg4[%multiple_of3A_18] : memref<321536xi32, #tpu.memory_space<hbm>> -> memref<128xi32, #tpu.memory_space<hbm>>
        tpu.enqueue_dma source(%dma_start3A_26 : memref<128xi32, #tpu.memory_space<hbm>>) target(%arg8 : memref<128xi32, #tpu.memory_space<vmem>>) target_semaphore(%run_scoped3A : memref<!tpu.dma_semaphore, #tpu.memory_space<semaphore_mem>>)
        %dma_wait3A = tpu.memref_slice %arg4[%multiple_of3A_18] : memref<321536xi32, #tpu.memory_space<hbm>> -> memref<128xi32, #tpu.memory_space<hbm>>
        %dma_wait3A_27 = tpu.memref_slice %arg4[%multiple_of3A_18] : memref<321536xi32, #tpu.memory_space<hbm>> -> memref<128xi32, #tpu.memory_space<hbm>>
        tpu.wait_dma2 semaphore(%run_scoped3A : memref<!tpu.dma_semaphore, #tpu.memory_space<semaphore_mem>>) src(%dma_wait3A_27 : memref<128xi32, #tpu.memory_space<hbm>>) dst(%arg8 : memref<128xi32, #tpu.memory_space<vmem>>)
        tpu.yield
      }) : () -> ()
      "tpu.region"() ({
        %run_scoped3A = tpu.sem_alloc : memref<!tpu.dma_semaphore, #tpu.memory_space<semaphore_mem>>
        %dma_start3A = tpu.memref_slice %arg5[%multiple_of3A_18] : memref<321536xi32, #tpu.memory_space<hbm>> -> memref<128xi32, #tpu.memory_space<hbm>>
        %dma_start3A_26 = tpu.memref_slice %arg5[%multiple_of3A_18] : memref<321536xi32, #tpu.memory_space<hbm>> -> memref<128xi32, #tpu.memory_space<hbm>>
        tpu.enqueue_dma source(%dma_start3A_26 : memref<128xi32, #tpu.memory_space<hbm>>) target(%arg9 : memref<128xi32, #tpu.memory_space<vmem>>) target_semaphore(%run_scoped3A : memref<!tpu.dma_semaphore, #tpu.memory_space<semaphore_mem>>)
        %dma_wait3A = tpu.memref_slice %arg5[%multiple_of3A_18] : memref<321536xi32, #tpu.memory_space<hbm>> -> memref<128xi32, #tpu.memory_space<hbm>>
        %dma_wait3A_27 = tpu.memref_slice %arg5[%multiple_of3A_18] : memref<321536xi32, #tpu.memory_space<hbm>> -> memref<128xi32, #tpu.memory_space<hbm>>
        tpu.wait_dma2 semaphore(%run_scoped3A : memref<!tpu.dma_semaphore, #tpu.memory_space<semaphore_mem>>) src(%dma_wait3A_27 : memref<128xi32, #tpu.memory_space<hbm>>) dst(%arg9 : memref<128xi32, #tpu.memory_space<vmem>>)
        tpu.yield
      }) : () -> ()
      %eq3A = arith.constant 0 : i32
      %eq3A_19 = arith.cmpi eq, %arg0, %eq3A : i32
      %convert_element_type3A = arith.extui %eq3A_19 : i1 to i32
      %cond3A = arith.constant 0 : i32
      %cond3A_20 = arith.cmpi ne, %convert_element_type3A, %cond3A : i32
      scf.if %cond3A_20 {
        %dma_start3A = arith.constant 0 : i32
        %dma_start3A_26 = arith.constant 0 : i32
        %dma_start3A_27 = tpu.memref_slice %arg2[%dma_start3A, %dma_start3A_26] : memref<10240x128xf32, #tpu.memory_space<hbm>> -> memref<10240x128xf32, #tpu.memory_space<hbm>>
        tpu.enqueue_indirect_dma source(%dma_start3A_27 : memref<10240x128xf32, #tpu.memory_space<hbm>>) target(%arg10 : memref<128x128xf32, #tpu.memory_space<vmem>>) offsets(%arg8 : memref<128xi32, #tpu.memory_space<vmem>>) semaphore(%arg12 : memref<!tpu.dma_semaphore, #tpu.memory_space<semaphore_mem>>)
        %dma_wait3A = arith.constant 0 : i32
        %dma_wait3A_28 = arith.constant 0 : i32
        %dma_wait3A_29 = tpu.memref_slice %arg2[%dma_wait3A, %dma_wait3A_28] : memref<10240x128xf32, #tpu.memory_space<hbm>> -> memref<10240x128xf32, #tpu.memory_space<hbm>>
        tpu.wait_indirect_dma semaphore(%arg12 : memref<!tpu.dma_semaphore, #tpu.memory_space<semaphore_mem>>) src(%dma_wait3A_29 : memref<10240x128xf32, #tpu.memory_space<hbm>>) dst(%arg10 : memref<128x128xf32, #tpu.memory_space<vmem>>)
      } else {
      }
      %eq3A_21 = arith.constant 1 : i32
      %eq3A_22 = arith.cmpi eq, %arg0, %eq3A_21 : i32
      %convert_element_type3A_23 = arith.extui %eq3A_22 : i1 to i32
      %cond3A_24 = arith.constant 0 : i32
      %cond3A_25 = arith.cmpi ne, %convert_element_type3A_23, %cond3A_24 : i32
      scf.if %cond3A_25 {
        %dma_start3A = arith.constant 0 : i32
        %dma_start3A_26 = arith.constant 0 : i32
        %dma_start3A_27 = tpu.memref_slice %arg3[%dma_start3A, %dma_start3A_26] : memref<10240x128xf32, #tpu.memory_space<hbm>> -> memref<10240x128xf32, #tpu.memory_space<hbm>>
        tpu.enqueue_indirect_dma source(%dma_start3A_27 : memref<10240x128xf32, #tpu.memory_space<hbm>>) target(%arg10 : memref<128x128xf32, #tpu.memory_space<vmem>>) offsets(%arg8 : memref<128xi32, #tpu.memory_space<vmem>>) semaphore(%arg12 : memref<!tpu.dma_semaphore, #tpu.memory_space<semaphore_mem>>)
        %dma_wait3A = arith.constant 0 : i32
        %dma_wait3A_28 = arith.constant 0 : i32
        %dma_wait3A_29 = tpu.memref_slice %arg3[%dma_wait3A, %dma_wait3A_28] : memref<10240x128xf32, #tpu.memory_space<hbm>> -> memref<10240x128xf32, #tpu.memory_space<hbm>>
        tpu.wait_indirect_dma semaphore(%arg12 : memref<!tpu.dma_semaphore, #tpu.memory_space<semaphore_mem>>) src(%dma_wait3A_29 : memref<10240x128xf32, #tpu.memory_space<hbm>>) dst(%arg10 : memref<128x128xf32, #tpu.memory_space<vmem>>)
      } else {
      }
      "tpu.region"() ({
        %run_scoped3A = tpu.sem_alloc : memref<!tpu.dma_semaphore, #tpu.memory_space<semaphore_mem>>
        %dma_start3A = arith.constant 0 : i32
        %dma_start3A_26 = arith.constant 0 : i32
        %dma_start3A_27 = tpu.memref_slice %arg11[%dma_start3A, %dma_start3A_26] : memref<10240x128xf32, #tpu.memory_space<vmem_shared>> -> memref<10240x128xf32, #tpu.memory_space<vmem_shared>>
        tpu.enqueue_indirect_dma source(%arg10 : memref<128x128xf32, #tpu.memory_space<vmem>>) target(%dma_start3A_27 : memref<10240x128xf32, #tpu.memory_space<vmem_shared>>) offsets(%arg9 : memref<128xi32, #tpu.memory_space<vmem>>) semaphore(%run_scoped3A : memref<!tpu.dma_semaphore, #tpu.memory_space<semaphore_mem>>) {add = true}
        %dma_wait3A = arith.constant 0 : i32
        %dma_wait3A_28 = arith.constant 0 : i32
        %dma_wait3A_29 = tpu.memref_slice %arg11[%dma_wait3A, %dma_wait3A_28] : memref<10240x128xf32, #tpu.memory_space<vmem_shared>> -> memref<10240x128xf32, #tpu.memory_space<vmem_shared>>
        tpu.wait_indirect_dma semaphore(%run_scoped3A : memref<!tpu.dma_semaphore, #tpu.memory_space<semaphore_mem>>) src(%arg10 : memref<128x128xf32, #tpu.memory_space<vmem>>) dst(%dma_wait3A_29 : memref<10240x128xf32, #tpu.memory_space<vmem_shared>>)
        tpu.yield
      }) : () -> ()
    }
    %scan3A_7 = arith.constant 157 : i32
    %barrier3A_8 = arith.constant 0 : index
    tpu.barrier barrier_id(%barrier3A_8)
    %mul3A_9 = arith.constant 10240 : i32
    %mul3A_10 = arith.muli %arg0, %mul3A_9 : i32
    %mul3A_11 = arith.constant 640 : i32
    %mul3A_12 = arith.muli %arg1, %mul3A_11 : i32
    %add3A = arith.addi %mul3A_10, %mul3A_12 : i32
    %multiple_of3A_13 = tpu.assume_multiple %add3A, 640 : i32
    "tpu.region"() ({
      %run_scoped3A = tpu.sem_alloc : memref<!tpu.dma_semaphore, #tpu.memory_space<semaphore_mem>>
      %dma_start3A = arith.constant 0 : i32
      %dma_start3A_14 = tpu.memref_slice %arg7[%multiple_of3A_13, %dma_start3A] : memref<20480x128xf32, #tpu.memory_space<hbm>> -> memref<640x128xf32, #tpu.memory_space<hbm>>
      %dma_start3A_15 = arith.constant 0 : i32
      %dma_start3A_16 = tpu.memref_slice %arg11[%multiple_of3A, %dma_start3A_15] : memref<10240x128xf32, #tpu.memory_space<vmem_shared>> -> memref<640x128xf32, #tpu.memory_space<vmem_shared>>
      tpu.enqueue_dma source(%dma_start3A_16 : memref<640x128xf32, #tpu.memory_space<vmem_shared>>) target(%dma_start3A_14 : memref<640x128xf32, #tpu.memory_space<hbm>>) target_semaphore(%run_scoped3A : memref<!tpu.dma_semaphore, #tpu.memory_space<semaphore_mem>>)
      %dma_wait3A = arith.constant 0 : i32
      %dma_wait3A_17 = tpu.memref_slice %arg7[%multiple_of3A_13, %dma_wait3A] : memref<20480x128xf32, #tpu.memory_space<hbm>> -> memref<640x128xf32, #tpu.memory_space<hbm>>
      %dma_wait3A_18 = arith.constant 0 : i32
      %dma_wait3A_19 = tpu.memref_slice %arg11[%multiple_of3A, %dma_wait3A_18] : memref<10240x128xf32, #tpu.memory_space<vmem_shared>> -> memref<640x128xf32, #tpu.memory_space<vmem_shared>>
      tpu.wait_dma2 semaphore(%run_scoped3A : memref<!tpu.dma_semaphore, #tpu.memory_space<semaphore_mem>>) src(%dma_wait3A_19 : memref<640x128xf32, #tpu.memory_space<vmem_shared>>) dst(%dma_wait3A_17 : memref<640x128xf32, #tpu.memory_space<hbm>>)
      tpu.yield
    }) : () -> ()
    return
  }
}

module attributes {stable_mosaic.version = 14 : i64} {
  func.func @_pre_body(%arg0: i32, %arg1: memref<1000x256xf32, #tpu.memory_space<vmem>>, %arg2: memref<1000x1xf32, #tpu.memory_space<vmem>>, %arg3: memref<1000x128xf32, #tpu.memory_space<vmem>>, %arg4: memref<1000x128xf32, #tpu.memory_space<vmem>>) attributes {dimension_semantics = [#tpu.dimension_semantics<arbitrary>], iteration_bounds = array<i64: 10>, scalar_prefetch = 0 : i64, scratch_operands = 0 : i64, tpu.core_type = #tpu.core_type<tc>, window_params = [{transform_indices = @transform_0, window_bounds = array<i64: 1000, 256>}, {transform_indices = @transform_1, window_bounds = array<i64: 1000, 1>}, {transform_indices = @transform_2, window_bounds = array<i64: 1000, 128>}, {transform_indices = @transform_3, window_bounds = array<i64: 1000, 128>}]} {
    %get3A = arith.constant 0 : index
    %get3A_0 = arith.constant 0 : index
    %get3A_1 = vector.load %arg2[%get3A, %get3A_0] : memref<1000x1xf32, #tpu.memory_space<vmem>>, vector<1000x1xf32>
    %max3A = arith.constant 1.000000e+00 : f32
    %max3A_2 = vector.broadcast %max3A : f32 to vector<1000x1xf32>
    %max3A_3 = arith.maximumf %get3A_1, %max3A_2 : vector<1000x1xf32>
    %rsqrt3A = math.rsqrt %max3A_3 : vector<1000x1xf32>
    %get3A_4 = arith.constant 0 : index
    %get3A_5 = arith.constant 0 : index
    %get3A_6 = vector.load %arg1[%get3A_4, %get3A_5] : memref<1000x256xf32, #tpu.memory_space<vmem>>, vector<1000x256xf32>
    %mul3A = vector.broadcast %rsqrt3A : vector<1000x1xf32> to vector<1000x256xf32>
    %mul3A_7 = arith.mulf %get3A_6, %mul3A : vector<1000x256xf32>
    %slice3A = vector.extract_strided_slice %mul3A_7 {offsets = [0, 0], sizes = [1000, 128], strides = [1, 1]} : vector<1000x256xf32> to vector<1000x128xf32>
    %swap3A = arith.constant 0 : index
    %swap3A_8 = arith.constant 0 : index
    %swap3A_9 = vector.load %arg3[%swap3A, %swap3A_8] : memref<1000x128xf32, #tpu.memory_space<vmem>>, vector<1000x128xf32>
    tpu.vector_store %arg3[%swap3A, %swap3A_8], %slice3A {strides = array<i32>} : memref<1000x128xf32, #tpu.memory_space<vmem>>, vector<1000x128xf32>,
    %slice3A_10 = vector.extract_strided_slice %mul3A_7 {offsets = [0, 128], sizes = [1000, 128], strides = [1, 1]} : vector<1000x256xf32> to vector<1000x128xf32>
    %swap3A_11 = arith.constant 0 : index
    %swap3A_12 = arith.constant 0 : index
    %swap3A_13 = vector.load %arg4[%swap3A_11, %swap3A_12] : memref<1000x128xf32, #tpu.memory_space<vmem>>, vector<1000x128xf32>
    tpu.vector_store %arg4[%swap3A_11, %swap3A_12], %slice3A_10 {strides = array<i32>} : memref<1000x128xf32, #tpu.memory_space<vmem>>, vector<1000x128xf32>,
    return
  }
  func.func @transform_0(%arg0: i32) -> (i32, i32) {
    %c0_i32 = arith.constant 0 : i32
    %c0_i32_0 = arith.constant 0 : i32
    return %arg0, %c0_i32 : i32, i32
  }
  func.func @transform_1(%arg0: i32) -> (i32, i32) {
    %c0_i32 = arith.constant 0 : i32
    %c0_i32_0 = arith.constant 0 : i32
    return %arg0, %c0_i32 : i32, i32
  }
  func.func @transform_2(%arg0: i32) -> (i32, i32) {
    %c0_i32 = arith.constant 0 : i32
    %c0_i32_0 = arith.constant 0 : i32
    return %arg0, %c0_i32 : i32, i32
  }
  func.func @transform_3(%arg0: i32) -> (i32, i32) {
    %c0_i32 = arith.constant 0 : i32
    %c0_i32_0 = arith.constant 0 : i32
    return %arg0, %c0_i32 : i32, i32
  }
}

module attributes {stable_mosaic.version = 14 : i64} {
  func.func @_post_body(%arg0: i32, %arg1: memref<2x1000x128xf32, #tpu.memory_space<vmem>>, %arg2: memref<1000x256xf32, #tpu.memory_space<vmem>>, %arg3: memref<1000x1xf32, #tpu.memory_space<vmem>>, %arg4: memref<256x256xf32, #tpu.memory_space<vmem>>, %arg5: memref<1x256xf32, #tpu.memory_space<vmem>>, %arg6: memref<1000x256xf32, #tpu.memory_space<vmem>>) attributes {dimension_semantics = [#tpu.dimension_semantics<arbitrary>], iteration_bounds = array<i64: 10>, scalar_prefetch = 0 : i64, scratch_operands = 0 : i64, tpu.core_type = #tpu.core_type<tc>, window_params = [{transform_indices = @transform_0, window_bounds = array<i64: 2, 1000, 128>}, {transform_indices = @transform_1, window_bounds = array<i64: 1000, 256>}, {transform_indices = @transform_2, window_bounds = array<i64: 1000, 1>}, {pipeline_mode = #tpu.pipeline_mode<synchronous>, transform_indices = @transform_3, window_bounds = array<i64: 256, 256>}, {pipeline_mode = #tpu.pipeline_mode<synchronous>, transform_indices = @transform_4, window_bounds = array<i64: 1, 256>}, {transform_indices = @transform_5, window_bounds = array<i64: 1000, 256>}]} {
    %get3A = arith.constant 0 : index
    %get3A_0 = arith.constant 0 : index
    %get3A_1 = vector.load %arg3[%get3A, %get3A_0] : memref<1000x1xf32, #tpu.memory_space<vmem>>, vector<1000x1xf32>
    %max3A = arith.constant 1.000000e+00 : f32
    %max3A_2 = vector.broadcast %max3A : f32 to vector<1000x1xf32>
    %max3A_3 = arith.maximumf %get3A_1, %max3A_2 : vector<1000x1xf32>
    %get3A_4 = arith.constant 0 : index
    %get3A_5 = arith.constant 0 : index
    %get3A_6 = arith.constant 0 : index
    %get3A_7 = vector.load %arg1[%get3A_4, %get3A_5, %get3A_6] : memref<2x1000x128xf32, #tpu.memory_space<vmem>>, vector<1x1000x128xf32>
    %get3A_8 = vector.shape_cast %get3A_7 : vector<1x1000x128xf32> to vector<1000x128xf32>
    %get3A_9 = arith.constant 1 : index
    %get3A_10 = arith.constant 0 : index
    %get3A_11 = arith.constant 0 : index
    %get3A_12 = vector.load %arg1[%get3A_9, %get3A_10, %get3A_11] : memref<2x1000x128xf32, #tpu.memory_space<vmem>>, vector<1x1000x128xf32>
    %get3A_13 = vector.shape_cast %get3A_12 : vector<1x1000x128xf32> to vector<1000x128xf32>
    %concatenate3A = tpu.concatenate %get3A_8, %get3A_13 in 1 : vector<1000x128xf32>, vector<1000x128xf32> -> vector<1000x256xf32>
    %rsqrt3A = math.rsqrt %max3A_3 : vector<1000x1xf32>
    %mul3A = vector.broadcast %rsqrt3A : vector<1000x1xf32> to vector<1000x256xf32>
    %mul3A_14 = arith.mulf %concatenate3A, %mul3A : vector<1000x256xf32>
    %get3A_15 = arith.constant 0 : index
    %get3A_16 = arith.constant 0 : index
    %get3A_17 = vector.load %arg2[%get3A_15, %get3A_16] : memref<1000x256xf32, #tpu.memory_space<vmem>>, vector<1000x256xf32>
    %div3A = arith.constant 1.000000e+00 : f32
    %div3A_18 = vector.broadcast %div3A : f32 to vector<1000x1xf32>
    %div3A_19 = arith.divf %div3A_18, %max3A_3 : vector<1000x1xf32>
    %mul3A_20 = vector.broadcast %div3A_19 : vector<1000x1xf32> to vector<1000x256xf32>
    %mul3A_21 = arith.mulf %get3A_17, %mul3A_20 : vector<1000x256xf32>
    %add3A = arith.addf %mul3A_14, %mul3A_21 : vector<1000x256xf32>
    %get3A_22 = arith.constant 0 : index
    %get3A_23 = arith.constant 0 : index
    %get3A_24 = vector.load %arg4[%get3A_22, %get3A_23] : memref<256x256xf32, #tpu.memory_space<vmem>>, vector<256x256xf32>
    %dot_general3A = arith.constant dense<0.000000e+00> : vector<1000x256xf32>
    %dot_general3A_25 = tpu.matmul %add3A, %get3A_24, %dot_general3A {dimension_numbers = #tpu.dot_dimension_numbers<[1], [0], [0], [1], [0, 0, 1, 1], [], []>, transpose_lhs_hint = false} : vector<1000x256xf32>, vector<256x256xf32>, vector<1000x256xf32> -> vector<1000x256xf32>
    %get3A_26 = arith.constant 0 : index
    %get3A_27 = arith.constant 0 : index
    %get3A_28 = vector.load %arg5[%get3A_26, %get3A_27] : memref<1x256xf32, #tpu.memory_space<vmem>>, vector<1x256xf32>
    %add3A_29 = vector.broadcast %get3A_28 : vector<1x256xf32> to vector<1000x256xf32>
    %add3A_30 = arith.addf %dot_general3A_25, %add3A_29 : vector<1000x256xf32>
    %max3A_31 = arith.constant 0.000000e+00 : f32
    %max3A_32 = vector.broadcast %max3A_31 : f32 to vector<1000x256xf32>
    %max3A_33 = arith.maximumf %add3A_30, %max3A_32 : vector<1000x256xf32>
    %swap3A = arith.constant 0 : index
    %swap3A_34 = arith.constant 0 : index
    %swap3A_35 = vector.load %arg6[%swap3A, %swap3A_34] : memref<1000x256xf32, #tpu.memory_space<vmem>>, vector<1000x256xf32>
    tpu.vector_store %arg6[%swap3A, %swap3A_34], %max3A_33 {strides = array<i32>} : memref<1000x256xf32, #tpu.memory_space<vmem>>, vector<1000x256xf32>,
    return
  }
  func.func @transform_0(%arg0: i32) -> (i32, i32, i32) {
    %c0_i32 = arith.constant 0 : i32
    %c0_i32_0 = arith.constant 0 : i32
    %c0_i32_1 = arith.constant 0 : i32
    return %c0_i32, %arg0, %c0_i32_0 : i32, i32, i32
  }
  func.func @transform_1(%arg0: i32) -> (i32, i32) {
    %c0_i32 = arith.constant 0 : i32
    %c0_i32_0 = arith.constant 0 : i32
    return %arg0, %c0_i32 : i32, i32
  }
  func.func @transform_2(%arg0: i32) -> (i32, i32) {
    %c0_i32 = arith.constant 0 : i32
    %c0_i32_0 = arith.constant 0 : i32
    return %arg0, %c0_i32 : i32, i32
  }
  func.func @transform_3(%arg0: i32) -> (i32, i32) {
    %c0_i32 = arith.constant 0 : i32
    %c0_i32_0 = arith.constant 0 : i32
    %c0_i32_1 = arith.constant 0 : i32
    return %c0_i32, %c0_i32_0 : i32, i32
  }
  func.func @transform_4(%arg0: i32) -> (i32, i32) {
    %c0_i32 = arith.constant 0 : i32
    %c0_i32_0 = arith.constant 0 : i32
    %c0_i32_1 = arith.constant 0 : i32
    return %c0_i32, %c0_i32_0 : i32, i32
  }
  func.func @transform_5(%arg0: i32) -> (i32, i32) {
    %c0_i32 = arith.constant 0 : i32
    %c0_i32_0 = arith.constant 0 : i32
    return %arg0, %c0_i32 : i32, i32
  }
}

</mosaic_0001>

<sc_bundles>
// kernel: kernel.6.cloned.1.call-start
scs
__scs_entry_jumppad:
0x0: {  	(pc) =	sbr.rel $0x88, $3  }
0x1: {  	(tag) =	ssettag $0x0;
	lr =	simm.s32 $0x1  }
0x2: {  	[smem:$0x3F9C] =	sst lr;
	_ =	strace $0xD0000000  }
0x3: {  	_ = 	snop  }
0x4: {  	_ = 	snop  }
0x5: {  	_ = 	snop  }
0x6: {  	_ = 	snop  }
0x7: {  	_ = 	snop  }
__scs_overlays_trampoline_lowered:
0x8: {  	[smem:$0x3FAB] =	sst s0  }
0x9: {  	[smem:$0x3FAC] =	sst s1  }
0xa: {  	[smem:$0x3FAD] =	sst s2  }
0xb: {  	[smem:$0x3FAE] =	sst s3  }
0xc: {  	[smem:$0x3FAF] =	sst s4  }
0xd: {  	[smem:$0x3FB0] =	sst s5  }
0xe: {  	[smem:$0x3FB1] =	sst s6  }
0xf: {  	[smem:$0x3FB2] =	sst s7  }
0x10: {  	[smem:$0x3FB3] =	sst s8  }
0x11: {  	[smem:$0x3FB4] =	sst s9;
	s0 =	simm.s32 @!p0 $0x0  }
0x12: {  	s1 =	sld [smem:$0x3F9A];
	s0 =	simm.s32 @p0 $0x1  }
0x13: {  	[smem:$0x3FB5] =	sst s0;
	s0 =	simm.s32 @!p1 $0x0  }
0x14: {  	s2 =	sld [smem:$0x3F99];
	s0 =	simm.s32 @p1 $0x1  }
0x15: {  	[smem:$0x3FB6] =	sst s0;
	s0 =	simm.s32 @!p2 $0x0  }
0x16: {  	s3 =	sld [smem:$0x3FDB];
	s0 =	simm.s32 @p2 $0x1  }
0x17: {  	s4 =	simm.s32 $0x1BF5;
	[smem:$0x3FB8] =	sst s0  }
0x18: {  	s0 =	sld [smem:$0x3F9B];
	_ =	swait.ge [sflag:s4], $0x0  }
0x19: {  	s7 =	sld [smem:$0x3F9C]  }
0x1a: {  	s8 =	sadd.s32 $0xFFFFE003, lr  }
0x1b: {  	s9 =	sadd.s32 $0xFFFFFEF7, lr;
	s5 =	simm.s32 $0xFFFFFFFF;
	p2 =	slt.u32 s8, $0xFFFFF086  }
0x1c: {  	p1 =	slt.u32 s9, $0xF7A;
	s5 =	simm.s32 @!p2 $0x0  }
0x1d: {  	s5 =	simm.s32 @p1 $0x1;
	p0 =	seq.s32 s7, s2  }
0x1e: {  	s7 =	smul.u32 @!p0 $0xF7A, s2;
	p2 =	seq.s32 @!p0 s5, $0x0  }
0x1f: {  	s9 =	smul.u32 $0xF7A, s1;
	s8 =	simm.s32 @!p0 $0x1BF5;
	p2 =	por !p2, p0  }
0x20: {  	[sflag:s8] =	ssyncset.s32 @!p0 $0xFFFFF086;
	s6 =	sadd.s32 @!p0 s3, s7;
	s7 =	simm.s32 @!p0 $0x108  }
0x21: {  	s3 =	sadd.s32 s3, s9;
	s6 =	sadd.s32 @!p0 $0x88, s6;
	s7 =	simm.s32 @p2 $0x1082  }
0x22: {  	[simem:s7], [sflag:s8] =	dma.local @!p0 [hbm:s6], $0xF7A  }
0x23: {  	s9 =	sor.u32 $0xD0000000, s2;
	s6 =	simm.s32 $0x108;
	_ =	swait.ge @!p0 [sflag:s8], $0x0  }
0x24: {  	s3 =	sadd.s32 $0x88, s3;
	s6 =	simm.s32 @!p1 $0x1082;
	[sflag:s4] =	ssyncset.s32 $0xFFFFF086  }
0x25: {  	[simem:s6], [sflag:s4] =	dma.local [hbm:s3], $0xF7A  }
0x26: {  	[smem:$0x3F9C] =	sst s1;
	(tag) =	ssettag s2;
	_ =	strace s9  }
0x27: {  	s1 =	sld [smem:$0x3FAC]  }
0x28: {  	s2 =	sld [smem:$0x3FAD]  }
0x29: {  	s4 =	sld [smem:$0x3FAF]  }
0x2a: {  	p0 =	seq.s32 s5, $0x0;
	s5 =	sld [smem:$0x3FB0]  }
0x2b: {  	s6 =	sld [smem:$0x3FB1]  }
0x2c: {  	s7 =	sld [smem:$0x3FB2]  }
0x2d: {  	s3 =	simm.s32 $0x108;
	s8 =	sld [smem:$0x3FB3]  }
0x2e: {  	s3 =	simm.s32 @!p0 $0x1082;
	s9 =	sld [smem:$0x3FB4]  }
0x2f: {  	lr =	sadd.s32 s0, s3;
	s0 =	sld [smem:$0x3FAB]  }
0x30: {  	s3 =	sld [smem:$0x3FAE]  }
0x31: {  	[smem:$0x3FB7] =	sst s10  }
0x32: {  	s10 =	sld [smem:$0x3FB5];
	_ =	sdelay $0x3  }
0x33: {  	p0 =	seq.s32 s10, $0x1;
	s10 =	sld [smem:$0x3FB7];
	_ =	sdelay $0x3  }
0x34: {  	[smem:$0x3FB7] =	sst s10  }
0x35: {  	s10 =	sld [smem:$0x3FB6];
	_ =	sdelay $0x3  }
0x36: {  	p1 =	seq.s32 s10, $0x1;
	s10 =	sld [smem:$0x3FB7];
	_ =	sdelay $0x3  }
0x37: {  	[smem:$0x3FB7] =	sst s10  }
0x38: {  	s10 =	sld [smem:$0x3FB8]  }
0x39: {  	_ = 	snop;
	(pc) =	sbr.ind lr, $3  }
0x3a: {  	_ = 	snop  }
0x3b: {  	_ = 	snop  }
0x3c: {  	p2 =	seq.s32 s10, $0x1;
	s10 =	sld [smem:$0x3FB7]  }
0x3d: {  	_ =	shalt  }
0x3e: {  	_ =	shalt  }
0x3f: {  	_ =	shalt  }
0x40: {  	_ =	shalt  }
0x41: {  	_ =	shalt  }
0x42: {  	_ =	shalt  }
0x43: {  	_ =	shalt  }
0x44: {  	_ =	shalt  }
0x45: {  	_ =	shalt  }
0x46: {  	_ =	shalt  }
0x47: {  	_ =	shalt  }
0x48: {  	_ =	shalt  }
0x49: {  	_ =	shalt  }
0x4a: {  	_ =	shalt  }
0x4b: {  	_ =	shalt  }
0x4c: {  	_ =	shalt  }
0x4d: {  	_ =	shalt  }
0x4e: {  	_ =	shalt  }
0x4f: {  	_ =	shalt  }
0x50: {  	_ =	shalt  }
0x51: {  	_ =	shalt  }
0x52: {  	_ =	shalt  }
0x53: {  	_ =	shalt  }
0x54: {  	_ =	shalt  }
0x55: {  	_ =	shalt  }
0x56: {  	_ =	shalt  }
0x57: {  	_ =	shalt  }
0x58: {  	_ =	shalt  }
0x59: {  	_ =	shalt  }
0x5a: {  	_ =	shalt  }
0x5b: {  	_ =	shalt  }
0x5c: {  	_ =	shalt  }
0x5d: {  	_ =	shalt  }
0x5e: {  	_ =	shalt  }
0x5f: {  	_ =	shalt  }
0x60: {  	_ =	shalt  }
0x61: {  	_ =	shalt  }
0x62: {  	_ =	shalt  }
0x63: {  	_ =	shalt  }
0x64: {  	_ =	shalt  }
0x65: {  	_ =	shalt  }
0x66: {  	_ =	shalt  }
0x67: {  	_ =	shalt  }
0x68: {  	_ =	shalt  }
0x69: {  	_ =	shalt  }
0x6a: {  	_ =	shalt  }
0x6b: {  	_ =	shalt  }
0x6c: {  	_ =	shalt  }
0x6d: {  	_ =	shalt  }
0x6e: {  	_ =	shalt  }
0x6f: {  	_ =	shalt  }
0x70: {  	_ =	shalt  }
0x71: {  	_ =	shalt  }
0x72: {  	_ =	shalt  }
0x73: {  	_ =	shalt  }
0x74: {  	_ =	shalt  }
0x75: {  	_ =	shalt  }
0x76: {  	_ =	shalt  }
0x77: {  	_ =	shalt  }
0x78: {  	_ =	shalt  }
0x79: {  	_ =	shalt  }
0x7a: {  	_ =	shalt  }
0x7b: {  	_ =	shalt  }
0x7c: {  	_ =	shalt  }
0x7d: {  	_ =	shalt  }
0x7e: {  	_ =	shalt  }
0x7f: {  	_ =	shalt  }
0x80: {  	_ =	shalt  }
0x81: {  	_ =	shalt  }
0x82: {  	_ =	shalt  }
0x83: {  	_ =	shalt  }
0x84: {  	_ =	shalt  }
0x85: {  	_ =	shalt  }
0x86: {  	_ =	shalt  }
0x87: {  	_ =	shalt  }
.Lfunc_end0:
.L_simem_size_0:
called_computation_lowered:
.L_overlay_start_0:
0x88: {  	s2 =	sld [smem:$0x3FD9]  }
0x89: {  	s3 =	sld [smem:$0x3FFE];
	_ =	sdelay $0x1  }
0x8a: {  	s1 =	srdreg.scid  }
0x8b: {  	s0 =	sand.u32 $0x1, s1  }
0x8c: {  	s17 =	sshll.u32 s0, $0xA;
	s2 =	sadd.s32 s3, s2  }
0x8d: {  	s2 =	sadd.s32 s2, s17  }
0x8e: {  	[smem:$0x3FC3] =	sst s2  }
0x8f: {  	_ = 	snop  }
0x90: {  	s2 =	sld [smem:$0x3FD0];
	(tm) =	ssettm $0x1  }
0x91: {  	s18 =	sld [smem:$0x3FFB];
	_ =	sdelay $0x3  }
0x92: {  	_ =	strace s18  }
0x93: {  	s3 =	sld [smem:$0x3FFC];
	_ =	sdelay $0x3  }
0x94: {  	_ =	strace s3  }
0x95: {  	s3 =	sld [smem:$0x3FFD];
	_ =	sdelay $0x3  }
0x96: {  	_ =	strace s3  }
0x97: {  	_ =	strace $0x8FFFFFFF  }
0x98: {  	s19 =	sld [smem:$0x3FDB];
	_ =	sdelay $0x1  }
0x99: {  	s4 =	simm.s32 $_scs_section_size  }
0x9a: {  	s5 =	simm.s32 $_size__tile_overlayer_lowered;
	s6 =	simm.s32 $_tile_overlayer_lowered  }
0x9b: {  	s22 =	simm.s32 $0x1BFF;
	s21 =	sshll.u32 s6, $0x1;
	s3 =	sadd.s32 s4, s19  }
0x9c: {  	s7 =	simm.s32 $0x0;
	s20 =	sshll.u32 s5, $0x1;
	s5 =	sadd.s32 s21, s3  }
0x9d: {  	[timem:s7], [sflag:s22] =	dma.local [hbm:s5], s20  }
0x9e: {  	_ =	swait.ge [sflag:s22], s20  }
0x9f: {  	s4 =	ssub.s32 $0x0, s20;
	[sflag:s22] =	ssyncset.done $0x0  }
0xa0: {  	[sflag:s22] =	ssyncadd.s32 s4;
	_ =	sdelay $0x1  }
0xa1: {  	s23 =	simm.s32 $0x1B8B  }
0xa2: {  	_ =	swait.ge [sflag:s23], $0x1  }
0xa3: {  	[sflag:s23] =	ssyncset.done $0x0  }
0xa4: {  	s25 =	simm.s32 $0x1B8E;
	s24 =	sld [smem:$0x3FFE];
	[sflag:s23] =	ssyncadd.s32 $0xFFFFFFFF  }
0xa5: {  	s26 =	simm.s32 $execute0_lowered;
	[smem:$0x3FD2] =	sst s25  }
0xa6: {  	s5 =	sshll.u32 s26, $0x1;
	_ =	strace $0x80000046;
	[dreg:$0x1] =	wrdreg $0xFFFFFFFF  }
0xa7: {  	s28 =	simm.s32 $_size_execute0_lowered;
	s3 =	sadd.s32 s3, s5;
	[dreg:$0x0] =	wrdreg $0x0  }
0xa8: {  	s5 =	sshll.u32 s28, $0x1;
	[dreg:$0x2] =	wrdreg s3  }
0xa9: {  	[dreg:$0x3] =	wrdreg s5  }
0xaa: {  	[dreg:$0x4] =	wrdreg $0xC0  }
0xab: {  	_ =	task [dreg:s7], $0x5FFFF  }
0xac: {  	[dreg:$0x1] =	wrdreg $0xFFFFFFFF  }
0xad: {  	[dreg:$0x0] =	wrdreg $0x60  }
0xae: {  	[dreg:$0x2] =	wrdreg s2  }
0xaf: {  	[dreg:$0x3] =	wrdreg s24  }
0xb0: {  	[dreg:$0x4] =	wrdreg $0x41000  }
0xb1: {  	[dreg:$0x5] =	wrdreg $0x9  }
0xb2: {  	_ =	task.clear_ibuf [dreg:s7], $0x6FFFF;
	_ =	strace $0x90000046  }
0xb3: {  	s29 =	simm.s32 $0x9;
	_ =	strace $0x80000048  }
0xb4: {  	_ =	swait.ge [sflag:s29], $0x1  }
0xb5: {  	[sflag:s29] =	ssyncadd.s32 $0xFFFFFFFF  }
0xb6: {  	_ =	strace $0x90000048  }
0xb7: {  	_ =	sfence  }
0xb8: {  	s30 =	sld [smem:$0x0];
	_ =	sdelay $0x2  }
0xb9: {  	s31 =	sshll.u32 s1, $0xD;
	s1 =	sshrl.u32 s1, $0x2  }
0xba: {  	s3 =	sand.u32 $0x4000, s31;
	s1 =	sadd.s32 s1, s30  }
0xbb: {  	s0 =	sor.u32 s3, s0;
	s1 =	sshll.u32 s1, $0x11  }
0xbc: {  	s0 =	sor.u32 s1, s0  }
0xbd: {  	s0 =	sadd.s32 $0x8F2B, s0  }
0xbe: {  	[sflag:s0] =	ssyncadd.remote.s32 $0x1  }
0xbf: {  	_ =	sfence.sel $0xFFFF  }
0xc0: {  	[dreg:$0x0] =	wrdreg $0xFFFFFFFF;
	(pc) =	sbr.abs _section_cstart, $3  }
0xc1: {  	[dreg:$0x1] =	wrdreg $0xFFFFFFFF  }
0xc2: {  	_ =	task.clear_ibuf [dreg:s7], $0x2FFFF;
	_ =	strace $0x9FFFFFFF  }
0xc3: {  	(tm) =	ssettm $0x7FFFFFFF  }
tec
execute0_lowered:
.L_overlay_start_1:
0x0: {  	(tag) =	ssettag $0x1  }
0x1: {  	s2 =	rddreg [dreg:$0x0]  }
0x2: {  	s5 =	rddreg [dreg:$0x1]  }
0x3: {  	s3 =	rddreg [dreg:$0x2]  }
0x4: {  	s0 =	rddreg [dreg:$0x3];
	s1 =	stileid.u32  }
0x5: {  	s7 =	srdreg.scid;
	s4 =	simm.s32 $0x0;
	s6 =	smul.u32 $0x9D0, s1  }
0x6: {  	s14 =	simm.s32 $0x100;
	s15 =	simm.s32 $0x1;
	s8 =	smul.u32 $0x280, s1  }
0x7: {  	s16 =	simm.s32 $0x0;
	s7 =	sand.u32 $0x1, s7;
	s26 =	smul.u32 $0x2800, s1  }
0x8: {  	[smem:$0x7FF] =	sst s4;
	s10 =	sadd.s32 $0x1600, s5;
	s12 =	smul.u32 $0x50000, s1  }
0x9: {  	s31 =	sshll.u32 s1, $0x6;
	s9 =	smul.u32 $0x2800, s7;
	_ =	strace $0x80000047  }
0xa: {  	s28 =	ssub.s32 $0x2, s7;
	p0 =	seq.s32 s7, $0x1;
	s11 =	sadd.s32 s6, s5  }
0xb: {  	s6 =	sadd.s32 s26, s5;
	s29 =	sshrl.u32 s28, $0x1;
	s30 =	sshrl.u32 s12, $0x2  }
0xc: {  	s2 =	smov.u32 @p0 s10;
	s12 =	simm.s32 $0x2;
	s8 =	sadd.s32 s8, s9  }
0xd: {  	s9 =	ssub.s32 s28, s29;
	s13 =	sadd.s32 s30, s3;
	s8 =	sshll.u32 s8, $0x4  }
0xe: {  	s10 =	sadd.s32 $0x33400, s11;
	s8 =	sadd.s32 s8, s5;
	s5 =	sadd.s32 $0x3D200, s6  }
0xf: {  	s6 =	sor.u32 $0x1C02, s31;
	s7 =	sadd.s32 $0x65200, s8;
	s8 =	smax.u32 s9, $0x1  }
0x10: {  	s9 =	sadd.s32 $0x29600, s11;
	s11 =	sshrl.u32 s13, $0x3;
	s13 =	simm.s32 $0x80  }
.LBB2_1:
0x11: {  	[spmem:s11], [sflag:s6] =	dma.local [hbm:s5], $0x2800  }
0x12: {  	_ =	swait.ge [sflag:s12], $0x2800  }
0x13: {  	[sflag:s12] =	ssyncset.done $0x0  }
0x14: {  	[sflag:s12] =	ssyncadd.s32 $0xFFFFD800  }
0x15: {  	s17 =	sadd.s32 $0x0, s10;
	[bflag:$0x0] =	sbarrier.arrive $0xFFFF  }
0x16: {  	[tilespmem:s4], [sflag:$0x2] =	stream.linear.gather [hbm4b:s17+s4], $0x80, $0x38;
	[tilespmem:$0x18100] =	vst v63  }
0x17: {  	_ =	swait.ge [sflag:s12], $0x80  }
0x18: {  	[sflag:s12] =	ssyncset.done $0x0  }
0x19: {  	s31 =	sadd.s32 $0x0, s9;
	[sflag:s12] =	ssyncadd.s32 $0xFFFFFF80  }
0x1a: {  	[tilespmem:s13], [sflag:$0x2] =	stream.linear.gather [hbm4b:s31+s4], $0x80, $0x38;
	[tilespmem:$0x18100] =	vst v63  }
0x1b: {  	_ =	swait.ge [sflag:s12], $0x80  }
0x1c: {  	[sflag:s12] =	ssyncset.done $0x0  }
0x1d: {  	[sflag:s12] =	ssyncadd.s32 $0xFFFFFF80  }
0x1e: {  	[tilespmem:s14], [sflag:$0x1] =	stream.indirect.gather [hbm4b:s2+s13], $0x80, s4, s13, $0xb8;
	[tilespmem:$0x18100] =	vst v63  }
0x1f: {  	_ =	swait.ge [sflag:s15], $0x4000  }
0x20: {  	[sflag:s15] =	ssyncset.done $0x0  }
0x21: {  	[sflag:s15] =	ssyncadd.s32 $0xFFFFC000  }
0x22: {  	[spmem:s3] =	stream.indirect.scatter.add.f32 [tilespmem:s14], [sflag:$0x2], $0x80, s13, s13, $0xb8;
	[tilespmem:$0x18100] =	vst v63  }
0x23: {  	_ =	swait.ge [sflag:s12], $0x4000  }
0x24: {  	s18 =	simm.s32 $0x20;
	s17 =	simm.s32 $0x10;
	[sflag:s12] =	ssyncset.done $0x0  }
.LBB2_2:
0x25: {  	s19 =	sadd.s32 s17, s10  }
0x26: {  	[sflag:s12] =	ssyncadd.s32 $0xFFFFC000;
	s20 =	smov.u32 s18;
	s21 =	sadd.s32 $0x10, s18  }
0x27: {  	[tilespmem:s4], [sflag:$0x2] =	stream.linear.gather [hbm4b:s19+s4], $0x80, $0x38;
	[tilespmem:$0x18100] =	vst v63  }
0x28: {  	p0 =	sne.s32 s18, $0x9C0;
	_ =	swait.ge [sflag:s12], $0x80  }
0x29: {  	[sflag:s12] =	ssyncset.done $0x0  }
0x2a: {  	s18 =	sadd.s32 s17, s9;
	s17 =	smov.u32 s20;
	[sflag:s12] =	ssyncadd.s32 $0xFFFFFF80  }
0x2b: {  	[tilespmem:s13], [sflag:$0x2] =	stream.linear.gather [hbm4b:s18+s4], $0x80, $0x38;
	[tilespmem:$0x18100] =	vst v63  }
0x2c: {  	_ =	swait.ge [sflag:s12], $0x80  }
0x2d: {  	[sflag:s12] =	ssyncset.done $0x0  }
0x2e: {  	[sflag:s12] =	ssyncadd.s32 $0xFFFFFF80  }
0x2f: {  	[tilespmem:s14], [sflag:$0x1] =	stream.indirect.gather [hbm4b:s2+s13], $0x80, s4, s13, $0xb8;
	[tilespmem:$0x18100] =	vst v63  }
0x30: {  	_ =	swait.ge [sflag:s15], $0x4000  }
.Ltmp0:
0x31: {  	[sflag:s15] =	ssyncset.done $0x0;
	(pc) =	sbr.rel @p0 .LBB2_2-.Ltmp0, $4  }
0x32: {  	[sflag:s15] =	ssyncadd.s32 $0xFFFFC000  }
0x33: {  	[spmem:s3] =	stream.indirect.scatter.add.f32 [tilespmem:s14], [sflag:$0x2], $0x80, s13, s13, $0xb8;
	[tilespmem:$0x18100] =	vst v63  }
0x34: {  	_ =	swait.ge [sflag:s12], $0x4000  }
0x35: {  	s18 =	smov.u32 s21;
	[sflag:s12] =	ssyncset.done $0x0  }
0x36: {  	s18 =	sadd.s32 s17, s10;
	[sflag:s12] =	ssyncadd.s32 $0xFFFFC000  }
0x37: {  	[tilespmem:s4], [sflag:$0x2] =	stream.linear.gather [hbm4b:s18+s4], $0x80, $0x38;
	[tilespmem:$0x18100] =	vst v63  }
0x38: {  	_ =	swait.ge [sflag:s12], $0x80  }
0x39: {  	[sflag:s12] =	ssyncset.done $0x0  }
0x3a: {  	s31 =	sadd.s32 s17, s9;
	[sflag:s12] =	ssyncadd.s32 $0xFFFFFF80  }
0x3b: {  	[tilespmem:s13], [sflag:$0x2] =	stream.linear.gather [hbm4b:s31+s4], $0x80, $0x38;
	[tilespmem:$0x18100] =	vst v63  }
0x3c: {  	_ =	swait.ge [sflag:s12], $0x80  }
0x3d: {  	[sflag:s12] =	ssyncset.done $0x0  }
0x3e: {  	[sflag:s12] =	ssyncadd.s32 $0xFFFFFF80  }
0x3f: {  	[tilespmem:s14], [sflag:$0x1] =	stream.indirect.gather [hbm4b:s2+s13], $0x80, s4, s13, $0xb8;
	[tilespmem:$0x18100] =	vst v63  }
0x40: {  	_ =	swait.ge [sflag:s15], $0x4000  }
0x41: {  	[sflag:s15] =	ssyncset.done $0x0  }
0x42: {  	[sflag:s15] =	ssyncadd.s32 $0xFFFFC000  }
0x43: {  	[spmem:s3] =	stream.indirect.scatter.add.f32 [tilespmem:s14], [sflag:$0x2], $0x80, s13, s13, $0xb8;
	[tilespmem:$0x18100] =	vst v63  }
0x44: {  	_ =	swait.ge [sflag:s12], $0x4000  }
0x45: {  	s16 =	sadd.s32 $0x1, s16;
	[sflag:s12] =	ssyncset.done $0x0  }
0x46: {  	p0 =	sne.s32 s16, s8;
	[sflag:s12] =	ssyncadd.s32 $0xFFFFC000  }
.Ltmp1:
0x47: {  	[bflag:$0x0] =	sbarrier.arrive $0xFFFF;
	(pc) =	sbr.rel @p0 .LBB2_1-.Ltmp1, $4  }
0x48: {  	[hbm:s7], [sflag:s6] =	dma.local [spmem:s11], $0x2800  }
0x49: {  	_ =	swait.ge [sflag:s12], $0x2800  }
0x4a: {  	[sflag:s12] =	ssyncset.done $0x0  }
0x4b: {  	[sflag:s12] =	ssyncadd.s32 $0xFFFFD800  }
0x4c: {  	_ =	sfence.sel $0x180000  }
0x4d: {  	[bflag:$0x0] =	sbarrier.arrive $0xFFFF  }
0x4e: {  	p0 =	sne.s32 s1, $0x0;
	_ =	strace $0x90000047  }
0x4f: {  	s0 =	sadd.s32 @!p0 $0x100000, s0;
	[bflag:$0x2] =	sbarrier.arrive $0xFFFF  }
0x50: {  	[sflag:s0] =	ssyncadd.tile.s32 @!p0 $0x1;
	_ =	shalt  }
.Lfunc_end2:
_tile_overlayer_lowered:
.L_overlay_start_2:
0x51: {  	(tag) =	ssettag $0x2  }
0x52: {  	s0 =	rddreg [dreg:$0x0];
	s2 =	stileid.u32  }
0x53: {  	s1 =	rddreg [dreg:$0x1];
	p0 =	sne.s32 s2, $0x0  }
0x54: {  	s3 =	rddreg [dreg:$0x2];
	[bflag:$0x3] =	sbarrier.arrive $0xFFFF;
	s2 =	simm.s32 @!p0 $0x1C02  }
0x55: {  	[timem:s3], [sflag:s2] =	dma.local @!p0 [hbm:s0], s1  }
0x56: {  	s0 =	simm.s32 @!p0 $0x2  }
0x57: {  	_ =	swait.ge @!p0 [sflag:s0], s1  }
0x58: {  	s1 =	ssub.s32 @!p0 $0x0, s1;
	[sflag:s0] =	ssyncset.done @!p0 $0x0  }
0x59: {  	[sflag:s0] =	ssyncadd.s32 @!p0 s1  }
0x5a: {  	[bflag:$0x3] =	sbarrier.arrive $0xFFFF  }
0x5b: {  	_ =	shalt  }

</sc_bundles>
